<compile_context>
chip_gen: v7x
topology: tpu7x:2x2x1
jax: 0.10.2.dev20260603
libtpu: 0.0.44.dev20260713+nightly
codegen_flags: <defaults>
</compile_context>

<pallas_src>
import jax
import jax.numpy as jnp
from jax import lax
from jax.experimental import pallas as pl
from jax.experimental.pallas import tpu as pltpu
from jax.experimental.pallas import tpu_sc as plsc

B = 16384
F = 26
V = 100000
D = 16
ADAPT = 128

NC = 2
NS = 16
NW = NC * NS
K = F * D
RPW = K // NW
BQ = B // 4
UNROLL = 8


def _rowsweep_body(tab_hbm, xt_hbm, out_hbm, row_v, x_v, oa_v, ob_v, sa, sb):
    wid = lax.axis_index("s") * NC + lax.axis_index("c")
    k0 = wid * RPW
    obufs = (oa_v, ob_v)
    sems = (sa, sb)

    def wait_store(buf, sem):
        pltpu.make_async_copy(buf, out_hbm.at[0, pl.ds(0, BQ)], sem).wait()

    def row_step(j, carry):
        k = k0 + j
        f = k // D
        d = k % D

        @pl.when(jnp.logical_or(j == 0, f != (k - 1) // D))
        def _():
            pltpu.sync_copy(xt_hbm.at[f], x_v)

        pltpu.sync_copy(tab_hbm.at[f, d], row_v)

        for q in range(4):
            buf = obufs[q % 2]
            sem = sems[q % 2]
            if q < 2:
                @pl.when(j > 0)
                def _():
                    wait_store(buf, sem)
            else:
                wait_store(buf, sem)

            @plsc.parallel_loop(0, BQ // 16, unroll=UNROLL)
            def _(i, q=q, buf=buf):
                off = i * 16
                idx = x_v[pl.ds(q * BQ + off, 16)]
                buf[pl.ds(off, 16)] = plsc.load_gather(row_v, [idx])
            pltpu.async_copy(buf, out_hbm.at[k, pl.ds(q * BQ, BQ)], sem)
        return carry

    lax.fori_loop(0, RPW, row_step, 0)
    wait_store(oa_v, sa)
    wait_store(ob_v, sb)


@jax.jit
def _sc_rowsweep(tab3, xt):
    mesh = plsc.VectorSubcoreMesh(core_axis_name="c", subcore_axis_name="s")
    return pl.kernel(
        _rowsweep_body,
        out_type=jax.ShapeDtypeStruct((K, B), jnp.float32),
        mesh=mesh,
        scratch_types=[
            pltpu.VMEM((V,), jnp.float32),
            pltpu.VMEM((B,), jnp.int32),
            pltpu.VMEM((BQ,), jnp.float32),
            pltpu.VMEM((BQ,), jnp.float32),
            pltpu.SemaphoreType.DMA,
            pltpu.SemaphoreType.DMA,
        ],
        compiler_params=pltpu.CompilerParams(use_tc_tiling_on_sc=True,
                                             needs_layout_passes=False),
    )(tab3, xt)


def _dense_body(ft_ref, lw_ref, lb_ref, w1_ref, b1_ref, w2_ref, b2_ref,
                out_ref):
    h = lax.dot_general(ft_ref[...], lw_ref[...], (((0,), (0,)), ((), ())),
                        preferred_element_type=jnp.float32) + lb_ref[...]
    h = jnp.maximum(jnp.dot(h, w1_ref[...],
                            preferred_element_type=jnp.float32) + b1_ref[...],
                    0.0)
    out_ref[...] = lax.dot_general(
        w2_ref[...], h, (((0,), (1,)), ((), ())),
        preferred_element_type=jnp.float32) + b2_ref[...]


BLK = 4096


def _tc_dense(featT, lin_w, lin_b, w1, b1, w2, b2):
    grid = (B // BLK,)
    return pl.pallas_call(
        _dense_body,
        grid=grid,
        in_specs=[
            pl.BlockSpec((K, BLK), lambda i: (0, i)),
            pl.BlockSpec((K, ADAPT), lambda i: (0, 0)),
            pl.BlockSpec((1, ADAPT), lambda i: (0, 0)),
            pl.BlockSpec((ADAPT, ADAPT), lambda i: (0, 0)),
            pl.BlockSpec((1, ADAPT), lambda i: (0, 0)),
            pl.BlockSpec((ADAPT, 1), lambda i: (0, 0)),
            pl.BlockSpec((1, 1), lambda i: (0, 0)),
        ],
        out_specs=pl.BlockSpec((1, BLK), lambda i: (0, i)),
        out_shape=jax.ShapeDtypeStruct((1, B), jnp.float32),
        compiler_params=pltpu.CompilerParams(
            fuse_transposed_lhs_in_matmul=True),
    )(featT, lin_w, lin_b, w1, b1, w2, b2)


def kernel(x, emb_tables, lin_w, lin_b, w1, b1, w2, b2):
    tab3 = jnp.transpose(emb_tables, (0, 2, 1))
    xt = x.T
    featT = _sc_rowsweep(tab3, xt)
    outT = _tc_dense(featT, lin_w, lin_b.reshape(1, ADAPT), w1,
                     b1.reshape(1, ADAPT), w2, b2.reshape(1, 1))
    return outT.T

# --- scband reference (transcript-rebuilt; emitter-appended) ---
"""Pipeline reference for scband-retrain-base-model-49340584297188 (READ-ONLY COPY).

The authoritative reference and input builder live on the scoring server;
editing this copy changes nothing except your own understanding.
"""

import jax, jax.numpy as jnp
import numpy as np

B = 16384
F = 26
V = 100000
D = 16
ADAPT = 128


def setup_inputs(seed: int = 0) -> dict:
    key = jax.random.key(seed)
    ks = jax.random.split(key, 8)
    x = jax.random.randint(ks[0], (B, F), 0, V, dtype=jnp.int32)
    emb_tables = jax.random.normal(ks[1], (F, V, D), dtype=jnp.float32) * 0.01
    lin_w = jax.random.normal(ks[2], (F * D, ADAPT), dtype=jnp.float32) * 0.05
    lin_b = jnp.zeros((ADAPT,), dtype=jnp.float32)
    w1 = jax.random.normal(ks[3], (ADAPT, ADAPT), dtype=jnp.float32) * 0.05
    b1 = jnp.zeros((ADAPT,), dtype=jnp.float32)
    w2 = jax.random.normal(ks[4], (ADAPT, 1), dtype=jnp.float32) * 0.05
    b2 = jnp.zeros((1,), dtype=jnp.float32)
    return {"x": x, "emb_tables": emb_tables, "lin_w": lin_w, "lin_b": lin_b,
            "w1": w1, "b1": b1, "w2": w2, "b2": b2}


def reference(x, emb_tables, lin_w, lin_b, w1, b1, w2, b2):
    # per-feature embedding lookup: self.embedding[fea](x[:, i])
    gathered = jax.vmap(lambda t, idx: jnp.take(t, idx, axis=0), in_axes=(0, 1))(emb_tables, x)  # [F, B, D]
    feat = jnp.transpose(gathered, (1, 0, 2)).reshape(x.shape[0], F * D)  # torch.cat(X, dim=-1)
    h = feat @ lin_w + lin_b  # self.lin
    # backbone rec model: small MLP head
    h = jax.nn.relu(h @ w1 + b1)
    out = h @ w2 + b2
    return out

if __name__ == "__main__":
    import jax
    _d = setup_inputs()
    print(jax.jit(kernel)(*tuple(_d.values())))

</pallas_src>

<mosaic_0001>
#map = affine_map<(d0, d1) -> (0, 0, 0)>
#map1 = affine_map<(d0, d1) -> (0, 0)>
module attributes {stable_mosaic.version = 14 : i64} {
  func.func @_rowsweep_body(%arg0: i32, %arg1: i32, %arg2: memref<26x16x100000xf32, #tpu.memory_space<hbm>>, %arg3: memref<26x16384xi32, #tpu.memory_space<hbm>>, %arg4: memref<416x16384xf32, #tpu.memory_space<hbm>>, %arg5: memref<100000xf32, #tpu.memory_space<vmem>>, %arg6: memref<16384xi32, #tpu.memory_space<vmem>>, %arg7: memref<4096xf32, #tpu.memory_space<vmem>>, %arg8: memref<4096xf32, #tpu.memory_space<vmem>>, %arg9: memref<!tpu.dma_semaphore, #tpu.memory_space<semaphore_mem>>, %arg10: memref<!tpu.dma_semaphore, #tpu.memory_space<semaphore_mem>>) attributes {dimension_semantics = [#tpu.dimension_semantics<core_parallel>, #tpu.dimension_semantics<subcore_parallel>], iteration_bounds = array<i64: 2, 16>, scalar_prefetch = 0 : i64, scratch_operands = 6 : i64, tpu.core_type = #tpu.core_type<sc_vector_subcore>, window_params = [{transform_indices = #map}, {transform_indices = #map1}, {transform_indices = #map1}]} {
    %mul3A = arith.constant 2 : i32
    %mul3A_0 = arith.muli %arg1, %mul3A : i32
    %add3A = arith.addi %mul3A_0, %arg0 : i32
    %mul3A_1 = arith.constant 13 : i32
    %mul3A_2 = arith.muli %add3A, %mul3A_1 : i32
    %scan3A = arith.constant 0 : i32
    %scan3A_3 = arith.constant 0 : i32
    %scan3A_4 = arith.constant 13 : i32
    %scan3A_5 = arith.addi %scan3A_3, %scan3A_4 : i32
    %scan3A_6 = arith.constant 1 : i32
    scf.for %scan3A_21 = %scan3A_3 to %scan3A_5 step %scan3A_6  : i32 {
      %add3A_22 = arith.addi %mul3A_2, %scan3A_21 : i32
      %jit3A = arith.constant 16 : i32
      %div3A = arith.divsi %add3A_22, %jit3A : i32
      %sign3A = arith.constant 0 : i32
      %sign3A_23 = arith.cmpi sgt, %add3A_22, %sign3A : i32
      %sign3A_24 = arith.extui %sign3A_23 : i1 to i32
      %sign3A_25 = arith.constant 0 : i32
      %sign3A_26 = arith.cmpi slt, %add3A_22, %sign3A_25 : i32
      %sign3A_27 = arith.extui %sign3A_26 : i1 to i32
      %sign3A_28 = arith.subi %sign3A_24, %sign3A_27 : i32
      %sign3A_29 = arith.constant 0 : i32
      %sign3A_30 = arith.cmpi sgt, %jit3A, %sign3A_29 : i32
      %sign3A_31 = arith.extui %sign3A_30 : i1 to i32
      %sign3A_32 = arith.constant 0 : i32
      %sign3A_33 = arith.cmpi slt, %jit3A, %sign3A_32 : i32
      %sign3A_34 = arith.extui %sign3A_33 : i1 to i32
      %sign3A_35 = arith.subi %sign3A_31, %sign3A_34 : i32
      %ne3A = arith.cmpi ne, %sign3A_28, %sign3A_35 : i32
      %rem3A = arith.remsi %add3A_22, %jit3A : i32
      %ne3A_36 = arith.constant 0 : i32
      %ne3A_37 = arith.cmpi ne, %rem3A, %ne3A_36 : i32
      %and3A = arith.andi %ne3A, %ne3A_37 : i1
      %sub3A = arith.constant 1 : i32
      %sub3A_38 = arith.subi %div3A, %sub3A : i32
      %select_n3A = arith.select %and3A, %sub3A_38, %div3A : i32
      %jit3A_39 = arith.constant 16 : i32
      %eq3A = arith.constant 0 : i32
      %eq3A_40 = arith.cmpi eq, %jit3A_39, %eq3A : i32
      %jit3A_41 = arith.constant 1 : i32
      %select_n3A_42 = arith.select %eq3A_40, %jit3A_41, %jit3A_39 : i32
      %rem3A_43 = arith.remsi %add3A_22, %select_n3A_42 : i32
      %ne3A_44 = arith.constant 0 : i32
      %ne3A_45 = arith.cmpi ne, %rem3A_43, %ne3A_44 : i32
      %lt3A = arith.constant 0 : i32
      %lt3A_46 = arith.cmpi slt, %rem3A_43, %lt3A : i32
      %lt3A_47 = arith.constant 0 : i32
      %lt3A_48 = arith.cmpi slt, %select_n3A_42, %lt3A_47 : i32
      %ne3A_49 = arith.xori %lt3A_46, %lt3A_48 : i1
      %and3A_50 = arith.andi %ne3A_49, %ne3A_45 : i1
      %add3A_51 = arith.addi %rem3A_43, %select_n3A_42 : i32
      %select_n3A_52 = arith.select %and3A_50, %add3A_51, %rem3A_43 : i32
      %eq3A_53 = arith.constant 0 : i32
      %eq3A_54 = arith.cmpi eq, %scan3A_21, %eq3A_53 : i32
      %sub3A_55 = arith.constant 1 : i32
      %sub3A_56 = arith.subi %add3A_22, %sub3A_55 : i32
      %jit3A_57 = arith.constant 16 : i32
      %div3A_58 = arith.divsi %sub3A_56, %jit3A_57 : i32
      %sign3A_59 = arith.constant 0 : i32
      %sign3A_60 = arith.cmpi sgt, %sub3A_56, %sign3A_59 : i32
      %sign3A_61 = arith.extui %sign3A_60 : i1 to i32
      %sign3A_62 = arith.constant 0 : i32
      %sign3A_63 = arith.cmpi slt, %sub3A_56, %sign3A_62 : i32
      %sign3A_64 = arith.extui %sign3A_63 : i1 to i32
      %sign3A_65 = arith.subi %sign3A_61, %sign3A_64 : i32
      %sign3A_66 = arith.constant 0 : i32
      %sign3A_67 = arith.cmpi sgt, %jit3A_57, %sign3A_66 : i32
      %sign3A_68 = arith.extui %sign3A_67 : i1 to i32
      %sign3A_69 = arith.constant 0 : i32
      %sign3A_70 = arith.cmpi slt, %jit3A_57, %sign3A_69 : i32
      %sign3A_71 = arith.extui %sign3A_70 : i1 to i32
      %sign3A_72 = arith.subi %sign3A_68, %sign3A_71 : i32
      %ne3A_73 = arith.cmpi ne, %sign3A_65, %sign3A_72 : i32
      %rem3A_74 = arith.remsi %sub3A_56, %jit3A_57 : i32
      %ne3A_75 = arith.constant 0 : i32
      %ne3A_76 = arith.cmpi ne, %rem3A_74, %ne3A_75 : i32
      %and3A_77 = arith.andi %ne3A_73, %ne3A_76 : i1
      %sub3A_78 = arith.constant 1 : i32
      %sub3A_79 = arith.subi %div3A_58, %sub3A_78 : i32
      %select_n3A_80 = arith.select %and3A_77, %sub3A_79, %div3A_58 : i32
      %ne3A_81 = arith.cmpi ne, %select_n3A, %select_n3A_80 : i32
      %or3A = arith.ori %eq3A_54, %ne3A_81 : i1
      %convert_element_type3A = arith.extui %or3A : i1 to i32
      %cond3A = arith.constant 0 : i32
      %cond3A_82 = arith.cmpi ne, %convert_element_type3A, %cond3A : i32
      scf.if %cond3A_82 {
        "tpu.region"() ({
          %run_scoped3A = tpu.sem_alloc : memref<!tpu.dma_semaphore, #tpu.memory_space<semaphore_mem>>
          %dma_start3A_140 = arith.constant 0 : i32
          %dma_start3A_141 = tpu.memref_slice %arg3[%select_n3A, %dma_start3A_140] : memref<26x16384xi32, #tpu.memory_space<hbm>> -> memref<1x16384xi32, #tpu.memory_space<hbm>>
          %dma_start3A_142 = tpu.memref_squeeze %dma_start3A_141 : memref<1x16384xi32, #tpu.memory_space<hbm>> -> memref<16384xi32, #tpu.memory_space<hbm>>
          %dma_start3A_143 = arith.constant 0 : i32
          %dma_start3A_144 = tpu.memref_slice %arg3[%select_n3A, %dma_start3A_143] : memref<26x16384xi32, #tpu.memory_space<hbm>> -> memref<1x16384xi32, #tpu.memory_space<hbm>>
          %dma_start3A_145 = tpu.memref_squeeze %dma_start3A_144 : memref<1x16384xi32, #tpu.memory_space<hbm>> -> memref<16384xi32, #tpu.memory_space<hbm>>
          tpu.enqueue_dma source(%dma_start3A_145 : memref<16384xi32, #tpu.memory_space<hbm>>) target(%arg6 : memref<16384xi32, #tpu.memory_space<vmem>>) target_semaphore(%run_scoped3A : memref<!tpu.dma_semaphore, #tpu.memory_space<semaphore_mem>>)
          %dma_wait3A_146 = arith.constant 0 : i32
          %dma_wait3A_147 = tpu.memref_slice %arg3[%select_n3A, %dma_wait3A_146] : memref<26x16384xi32, #tpu.memory_space<hbm>> -> memref<1x16384xi32, #tpu.memory_space<hbm>>
          %dma_wait3A_148 = tpu.memref_squeeze %dma_wait3A_147 : memref<1x16384xi32, #tpu.memory_space<hbm>> -> memref<16384xi32, #tpu.memory_space<hbm>>
          %dma_wait3A_149 = arith.constant 0 : i32
          %dma_wait3A_150 = tpu.memref_slice %arg3[%select_n3A, %dma_wait3A_149] : memref<26x16384xi32, #tpu.memory_space<hbm>> -> memref<1x16384xi32, #tpu.memory_space<hbm>>
          %dma_wait3A_151 = tpu.memref_squeeze %dma_wait3A_150 : memref<1x16384xi32, #tpu.memory_space<hbm>> -> memref<16384xi32, #tpu.memory_space<hbm>>
          tpu.wait_dma2 semaphore(%run_scoped3A : memref<!tpu.dma_semaphore, #tpu.memory_space<semaphore_mem>>) src(%dma_wait3A_151 : memref<16384xi32, #tpu.memory_space<hbm>>) dst(%arg6 : memref<16384xi32, #tpu.memory_space<vmem>>)
          tpu.yield
        }) : () -> ()
      } else {
      }
      "tpu.region"() ({
        %run_scoped3A = tpu.sem_alloc : memref<!tpu.dma_semaphore, #tpu.memory_space<semaphore_mem>>
        %dma_start3A_140 = arith.constant 0 : i32
        %dma_start3A_141 = tpu.memref_slice %arg2[%select_n3A, %select_n3A_52, %dma_start3A_140] : memref<26x16x100000xf32, #tpu.memory_space<hbm>> -> memref<1x1x100000xf32, #tpu.memory_space<hbm>>
        %dma_start3A_142 = tpu.memref_squeeze %dma_start3A_141 : memref<1x1x100000xf32, #tpu.memory_space<hbm>> -> memref<100000xf32, #tpu.memory_space<hbm>>
        %dma_start3A_143 = arith.constant 0 : i32
        %dma_start3A_144 = tpu.memref_slice %arg2[%select_n3A, %select_n3A_52, %dma_start3A_143] : memref<26x16x100000xf32, #tpu.memory_space<hbm>> -> memref<1x1x100000xf32, #tpu.memory_space<hbm>>
        %dma_start3A_145 = tpu.memref_squeeze %dma_start3A_144 : memref<1x1x100000xf32, #tpu.memory_space<hbm>> -> memref<100000xf32, #tpu.memory_space<hbm>>
        tpu.enqueue_dma source(%dma_start3A_145 : memref<100000xf32, #tpu.memory_space<hbm>>) target(%arg5 : memref<100000xf32, #tpu.memory_space<vmem>>) target_semaphore(%run_scoped3A : memref<!tpu.dma_semaphore, #tpu.memory_space<semaphore_mem>>)
        %dma_wait3A_146 = arith.constant 0 : i32
        %dma_wait3A_147 = tpu.memref_slice %arg2[%select_n3A, %select_n3A_52, %dma_wait3A_146] : memref<26x16x100000xf32, #tpu.memory_space<hbm>> -> memref<1x1x100000xf32, #tpu.memory_space<hbm>>
        %dma_wait3A_148 = tpu.memref_squeeze %dma_wait3A_147 : memref<1x1x100000xf32, #tpu.memory_space<hbm>> -> memref<100000xf32, #tpu.memory_space<hbm>>
        %dma_wait3A_149 = arith.constant 0 : i32
        %dma_wait3A_150 = tpu.memref_slice %arg2[%select_n3A, %select_n3A_52, %dma_wait3A_149] : memref<26x16x100000xf32, #tpu.memory_space<hbm>> -> memref<1x1x100000xf32, #tpu.memory_space<hbm>>
        %dma_wait3A_151 = tpu.memref_squeeze %dma_wait3A_150 : memref<1x1x100000xf32, #tpu.memory_space<hbm>> -> memref<100000xf32, #tpu.memory_space<hbm>>
        tpu.wait_dma2 semaphore(%run_scoped3A : memref<!tpu.dma_semaphore, #tpu.memory_space<semaphore_mem>>) src(%dma_wait3A_151 : memref<100000xf32, #tpu.memory_space<hbm>>) dst(%arg5 : memref<100000xf32, #tpu.memory_space<vmem>>)
        tpu.yield
      }) : () -> ()
      %gt3A = arith.constant 0 : i32
      %gt3A_83 = arith.cmpi sgt, %scan3A_21, %gt3A : i32
      %convert_element_type3A_84 = arith.extui %gt3A_83 : i1 to i32
      %cond3A_85 = arith.constant 0 : i32
      %cond3A_86 = arith.cmpi ne, %convert_element_type3A_84, %cond3A_85 : i32
      scf.if %cond3A_86 {
        %dma_wait3A_140 = arith.constant 0 : i32
        %dma_wait3A_141 = arith.constant 0 : i32
        %dma_wait3A_142 = tpu.memref_slice %arg4[%dma_wait3A_140, %dma_wait3A_141] : memref<416x16384xf32, #tpu.memory_space<hbm>> -> memref<1x4096xf32, #tpu.memory_space<hbm>>
        %dma_wait3A_143 = tpu.memref_squeeze %dma_wait3A_142 : memref<1x4096xf32, #tpu.memory_space<hbm>> -> memref<4096xf32, #tpu.memory_space<hbm>>
        %dma_wait3A_144 = arith.constant 0 : i32
        %dma_wait3A_145 = tpu.memref_slice %arg4[%dma_wait3A_140, %dma_wait3A_144] : memref<416x16384xf32, #tpu.memory_space<hbm>> -> memref<1x4096xf32, #tpu.memory_space<hbm>>
        %dma_wait3A_146 = tpu.memref_squeeze %dma_wait3A_145 : memref<1x4096xf32, #tpu.memory_space<hbm>> -> memref<4096xf32, #tpu.memory_space<hbm>>
        tpu.wait_dma2 semaphore(%arg9 : memref<!tpu.dma_semaphore, #tpu.memory_space<semaphore_mem>>) src(%arg7 : memref<4096xf32, #tpu.memory_space<vmem>>) dst(%dma_wait3A_146 : memref<4096xf32, #tpu.memory_space<hbm>>)
      } else {
      }
      %parallel_loop3A = arith.constant 0 : i32
      %parallel_loop3A_87 = arith.constant 256 : i32
      %parallel_loop3A_88 = arith.constant 1 : i32
      scf.for %parallel_loop3A_140 = %parallel_loop3A to %parallel_loop3A_87 step %parallel_loop3A_88  : i32 {
        %parallel_loop3A_141 = arith.constant 16 : i32
        %parallel_loop3A_142 = arith.muli %parallel_loop3A_140, %parallel_loop3A_141 : i32
        %parallel_loop3A_143 = arith.constant 0 : i32
        %parallel_loop3A_144 = arith.addi %parallel_loop3A_143, %parallel_loop3A_142 : i32
        %parallel_loop3A_145 = arith.index_cast %parallel_loop3A_144 : i32 to index
        %parallel_loop3A_146 = tpu.vector_load %arg6[%parallel_loop3A_145] {strides = array<i32>} : memref<16384xi32, #tpu.memory_space<vmem>>, vector<16xi32>,
        %parallel_loop3A_147 = tpu.vector_load_idx %arg5[%parallel_loop3A_146] : memref<100000xf32, #tpu.memory_space<vmem>>[vector<16xi32>], vector<16xf32>,
        %parallel_loop3A_148 = arith.index_cast %parallel_loop3A_142 : i32 to index
        %parallel_loop3A_149 = tpu.vector_load %arg7[%parallel_loop3A_148] {strides = array<i32>} : memref<4096xf32, #tpu.memory_space<vmem>>, vector<16xf32>,
        tpu.vector_store %arg7[%parallel_loop3A_148], %parallel_loop3A_147 {strides = array<i32>} : memref<4096xf32, #tpu.memory_space<vmem>>, vector<16xf32>,
      } {sc.loop_unroll_factor = 8 : i64, sc.parallel_access}
      %dma_start3A = arith.constant 0 : i32
      %dma_start3A_89 = tpu.memref_slice %arg4[%add3A_22, %dma_start3A] : memref<416x16384xf32, #tpu.memory_space<hbm>> -> memref<1x4096xf32, #tpu.memory_space<hbm>>
      %dma_start3A_90 = tpu.memref_squeeze %dma_start3A_89 : memref<1x4096xf32, #tpu.memory_space<hbm>> -> memref<4096xf32, #tpu.memory_space<hbm>>
      %dma_start3A_91 = arith.constant 0 : i32
      %dma_start3A_92 = tpu.memref_slice %arg4[%add3A_22, %dma_start3A_91] : memref<416x16384xf32, #tpu.memory_space<hbm>> -> memref<1x4096xf32, #tpu.memory_space<hbm>>
      %dma_start3A_93 = tpu.memref_squeeze %dma_start3A_92 : memref<1x4096xf32, #tpu.memory_space<hbm>> -> memref<4096xf32, #tpu.memory_space<hbm>>
      tpu.enqueue_dma source(%arg7 : memref<4096xf32, #tpu.memory_space<vmem>>) target(%dma_start3A_93 : memref<4096xf32, #tpu.memory_space<hbm>>) target_semaphore(%arg9 : memref<!tpu.dma_semaphore, #tpu.memory_space<semaphore_mem>>)
      %gt3A_94 = arith.constant 0 : i32
      %gt3A_95 = arith.cmpi sgt, %scan3A_21, %gt3A_94 : i32
      %convert_element_type3A_96 = arith.extui %gt3A_95 : i1 to i32
      %cond3A_97 = arith.constant 0 : i32
      %cond3A_98 = arith.cmpi ne, %convert_element_type3A_96, %cond3A_97 : i32
      scf.if %cond3A_98 {
        %dma_wait3A_140 = arith.constant 0 : i32
        %dma_wait3A_141 = arith.constant 0 : i32
        %dma_wait3A_142 = tpu.memref_slice %arg4[%dma_wait3A_140, %dma_wait3A_141] : memref<416x16384xf32, #tpu.memory_space<hbm>> -> memref<1x4096xf32, #tpu.memory_space<hbm>>
        %dma_wait3A_143 = tpu.memref_squeeze %dma_wait3A_142 : memref<1x4096xf32, #tpu.memory_space<hbm>> -> memref<4096xf32, #tpu.memory_space<hbm>>
        %dma_wait3A_144 = arith.constant 0 : i32
        %dma_wait3A_145 = tpu.memref_slice %arg4[%dma_wait3A_140, %dma_wait3A_144] : memref<416x16384xf32, #tpu.memory_space<hbm>> -> memref<1x4096xf32, #tpu.memory_space<hbm>>
        %dma_wait3A_146 = tpu.memref_squeeze %dma_wait3A_145 : memref<1x4096xf32, #tpu.memory_space<hbm>> -> memref<4096xf32, #tpu.memory_space<hbm>>
        tpu.wait_dma2 semaphore(%arg10 : memref<!tpu.dma_semaphore, #tpu.memory_space<semaphore_mem>>) src(%arg8 : memref<4096xf32, #tpu.memory_space<vmem>>) dst(%dma_wait3A_146 : memref<4096xf32, #tpu.memory_space<hbm>>)
      } else {
      }
      %parallel_loop3A_99 = arith.constant 0 : i32
      %parallel_loop3A_100 = arith.constant 256 : i32
      %parallel_loop3A_101 = arith.constant 1 : i32
      scf.for %parallel_loop3A_140 = %parallel_loop3A_99 to %parallel_loop3A_100 step %parallel_loop3A_101  : i32 {
        %parallel_loop3A_141 = arith.constant 16 : i32
        %parallel_loop3A_142 = arith.muli %parallel_loop3A_140, %parallel_loop3A_141 : i32
        %parallel_loop3A_143 = arith.constant 4096 : i32
        %parallel_loop3A_144 = arith.addi %parallel_loop3A_143, %parallel_loop3A_142 : i32
        %parallel_loop3A_145 = arith.index_cast %parallel_loop3A_144 : i32 to index
        %parallel_loop3A_146 = tpu.vector_load %arg6[%parallel_loop3A_145] {strides = array<i32>} : memref<16384xi32, #tpu.memory_space<vmem>>, vector<16xi32>,
        %parallel_loop3A_147 = tpu.vector_load_idx %arg5[%parallel_loop3A_146] : memref<100000xf32, #tpu.memory_space<vmem>>[vector<16xi32>], vector<16xf32>,
        %parallel_loop3A_148 = arith.index_cast %parallel_loop3A_142 : i32 to index
        %parallel_loop3A_149 = tpu.vector_load %arg8[%parallel_loop3A_148] {strides = array<i32>} : memref<4096xf32, #tpu.memory_space<vmem>>, vector<16xf32>,
        tpu.vector_store %arg8[%parallel_loop3A_148], %parallel_loop3A_147 {strides = array<i32>} : memref<4096xf32, #tpu.memory_space<vmem>>, vector<16xf32>,
      } {sc.loop_unroll_factor = 8 : i64, sc.parallel_access}
      %dma_start3A_102 = arith.constant 4096 : i32
      %dma_start3A_103 = tpu.memref_slice %arg4[%add3A_22, %dma_start3A_102] : memref<416x16384xf32, #tpu.memory_space<hbm>> -> memref<1x4096xf32, #tpu.memory_space<hbm>>
      %dma_start3A_104 = tpu.memref_squeeze %dma_start3A_103 : memref<1x4096xf32, #tpu.memory_space<hbm>> -> memref<4096xf32, #tpu.memory_space<hbm>>
      %dma_start3A_105 = arith.constant 4096 : i32
      %dma_start3A_106 = tpu.memref_slice %arg4[%add3A_22, %dma_start3A_105] : memref<416x16384xf32, #tpu.memory_space<hbm>> -> memref<1x4096xf32, #tpu.memory_space<hbm>>
      %dma_start3A_107 = tpu.memref_squeeze %dma_start3A_106 : memref<1x4096xf32, #tpu.memory_space<hbm>> -> memref<4096xf32, #tpu.memory_space<hbm>>
      tpu.enqueue_dma source(%arg8 : memref<4096xf32, #tpu.memory_space<vmem>>) target(%dma_start3A_107 : memref<4096xf32, #tpu.memory_space<hbm>>) target_semaphore(%arg10 : memref<!tpu.dma_semaphore, #tpu.memory_space<semaphore_mem>>)
      %dma_wait3A_108 = arith.constant 0 : i32
      %dma_wait3A_109 = arith.constant 0 : i32
      %dma_wait3A_110 = tpu.memref_slice %arg4[%dma_wait3A_108, %dma_wait3A_109] : memref<416x16384xf32, #tpu.memory_space<hbm>> -> memref<1x4096xf32, #tpu.memory_space<hbm>>
      %dma_wait3A_111 = tpu.memref_squeeze %dma_wait3A_110 : memref<1x4096xf32, #tpu.memory_space<hbm>> -> memref<4096xf32, #tpu.memory_space<hbm>>
      %dma_wait3A_112 = arith.constant 0 : i32
      %dma_wait3A_113 = tpu.memref_slice %arg4[%dma_wait3A_108, %dma_wait3A_112] : memref<416x16384xf32, #tpu.memory_space<hbm>> -> memref<1x4096xf32, #tpu.memory_space<hbm>>
      %dma_wait3A_114 = tpu.memref_squeeze %dma_wait3A_113 : memref<1x4096xf32, #tpu.memory_space<hbm>> -> memref<4096xf32, #tpu.memory_space<hbm>>
      tpu.wait_dma2 semaphore(%arg9 : memref<!tpu.dma_semaphore, #tpu.memory_space<semaphore_mem>>) src(%arg7 : memref<4096xf32, #tpu.memory_space<vmem>>) dst(%dma_wait3A_114 : memref<4096xf32, #tpu.memory_space<hbm>>)
      %parallel_loop3A_115 = arith.constant 0 : i32
      %parallel_loop3A_116 = arith.constant 256 : i32
      %parallel_loop3A_117 = arith.constant 1 : i32
      scf.for %parallel_loop3A_140 = %parallel_loop3A_115 to %parallel_loop3A_116 step %parallel_loop3A_117  : i32 {
        %parallel_loop3A_141 = arith.constant 16 : i32
        %parallel_loop3A_142 = arith.muli %parallel_loop3A_140, %parallel_loop3A_141 : i32
        %parallel_loop3A_143 = arith.constant 8192 : i32
        %parallel_loop3A_144 = arith.addi %parallel_loop3A_143, %parallel_loop3A_142 : i32
        %parallel_loop3A_145 = arith.index_cast %parallel_loop3A_144 : i32 to index
        %parallel_loop3A_146 = tpu.vector_load %arg6[%parallel_loop3A_145] {strides = array<i32>} : memref<16384xi32, #tpu.memory_space<vmem>>, vector<16xi32>,
        %parallel_loop3A_147 = tpu.vector_load_idx %arg5[%parallel_loop3A_146] : memref<100000xf32, #tpu.memory_space<vmem>>[vector<16xi32>], vector<16xf32>,
        %parallel_loop3A_148 = arith.index_cast %parallel_loop3A_142 : i32 to index
        %parallel_loop3A_149 = tpu.vector_load %arg7[%parallel_loop3A_148] {strides = array<i32>} : memref<4096xf32, #tpu.memory_space<vmem>>, vector<16xf32>,
        tpu.vector_store %arg7[%parallel_loop3A_148], %parallel_loop3A_147 {strides = array<i32>} : memref<4096xf32, #tpu.memory_space<vmem>>, vector<16xf32>,
      } {sc.loop_unroll_factor = 8 : i64, sc.parallel_access}
      %dma_start3A_118 = arith.constant 8192 : i32
      %dma_start3A_119 = tpu.memref_slice %arg4[%add3A_22, %dma_start3A_118] : memref<416x16384xf32, #tpu.memory_space<hbm>> -> memref<1x4096xf32, #tpu.memory_space<hbm>>
      %dma_start3A_120 = tpu.memref_squeeze %dma_start3A_119 : memref<1x4096xf32, #tpu.memory_space<hbm>> -> memref<4096xf32, #tpu.memory_space<hbm>>
      %dma_start3A_121 = arith.constant 8192 : i32
      %dma_start3A_122 = tpu.memref_slice %arg4[%add3A_22, %dma_start3A_121] : memref<416x16384xf32, #tpu.memory_space<hbm>> -> memref<1x4096xf32, #tpu.memory_space<hbm>>
      %dma_start3A_123 = tpu.memref_squeeze %dma_start3A_122 : memref<1x4096xf32, #tpu.memory_space<hbm>> -> memref<4096xf32, #tpu.memory_space<hbm>>
      tpu.enqueue_dma source(%arg7 : memref<4096xf32, #tpu.memory_space<vmem>>) target(%dma_start3A_123 : memref<4096xf32, #tpu.memory_space<hbm>>) target_semaphore(%arg9 : memref<!tpu.dma_semaphore, #tpu.memory_space<semaphore_mem>>)
      %dma_wait3A_124 = arith.constant 0 : i32
      %dma_wait3A_125 = arith.constant 0 : i32
      %dma_wait3A_126 = tpu.memref_slice %arg4[%dma_wait3A_124, %dma_wait3A_125] : memref<416x16384xf32, #tpu.memory_space<hbm>> -> memref<1x4096xf32, #tpu.memory_space<hbm>>
      %dma_wait3A_127 = tpu.memref_squeeze %dma_wait3A_126 : memref<1x4096xf32, #tpu.memory_space<hbm>> -> memref<4096xf32, #tpu.memory_space<hbm>>
      %dma_wait3A_128 = arith.constant 0 : i32
      %dma_wait3A_129 = tpu.memref_slice %arg4[%dma_wait3A_124, %dma_wait3A_128] : memref<416x16384xf32, #tpu.memory_space<hbm>> -> memref<1x4096xf32, #tpu.memory_space<hbm>>
      %dma_wait3A_130 = tpu.memref_squeeze %dma_wait3A_129 : memref<1x4096xf32, #tpu.memory_space<hbm>> -> memref<4096xf32, #tpu.memory_space<hbm>>
      tpu.wait_dma2 semaphore(%arg10 : memref<!tpu.dma_semaphore, #tpu.memory_space<semaphore_mem>>) src(%arg8 : memref<4096xf32, #tpu.memory_space<vmem>>) dst(%dma_wait3A_130 : memref<4096xf32, #tpu.memory_space<hbm>>)
      %parallel_loop3A_131 = arith.constant 0 : i32
      %parallel_loop3A_132 = arith.constant 256 : i32
      %parallel_loop3A_133 = arith.constant 1 : i32
      scf.for %parallel_loop3A_140 = %parallel_loop3A_131 to %parallel_loop3A_132 step %parallel_loop3A_133  : i32 {
        %parallel_loop3A_141 = arith.constant 16 : i32
        %parallel_loop3A_142 = arith.muli %parallel_loop3A_140, %parallel_loop3A_141 : i32
        %parallel_loop3A_143 = arith.constant 12288 : i32
        %parallel_loop3A_144 = arith.addi %parallel_loop3A_143, %parallel_loop3A_142 : i32
        %parallel_loop3A_145 = arith.index_cast %parallel_loop3A_144 : i32 to index
        %parallel_loop3A_146 = tpu.vector_load %arg6[%parallel_loop3A_145] {strides = array<i32>} : memref<16384xi32, #tpu.memory_space<vmem>>, vector<16xi32>,
        %parallel_loop3A_147 = tpu.vector_load_idx %arg5[%parallel_loop3A_146] : memref<100000xf32, #tpu.memory_space<vmem>>[vector<16xi32>], vector<16xf32>,
        %parallel_loop3A_148 = arith.index_cast %parallel_loop3A_142 : i32 to index
        %parallel_loop3A_149 = tpu.vector_load %arg8[%parallel_loop3A_148] {strides = array<i32>} : memref<4096xf32, #tpu.memory_space<vmem>>, vector<16xf32>,
        tpu.vector_store %arg8[%parallel_loop3A_148], %parallel_loop3A_147 {strides = array<i32>} : memref<4096xf32, #tpu.memory_space<vmem>>, vector<16xf32>,
      } {sc.loop_unroll_factor = 8 : i64, sc.parallel_access}
      %dma_start3A_134 = arith.constant 12288 : i32
      %dma_start3A_135 = tpu.memref_slice %arg4[%add3A_22, %dma_start3A_134] : memref<416x16384xf32, #tpu.memory_space<hbm>> -> memref<1x4096xf32, #tpu.memory_space<hbm>>
      %dma_start3A_136 = tpu.memref_squeeze %dma_start3A_135 : memref<1x4096xf32, #tpu.memory_space<hbm>> -> memref<4096xf32, #tpu.memory_space<hbm>>
      %dma_start3A_137 = arith.constant 12288 : i32
      %dma_start3A_138 = tpu.memref_slice %arg4[%add3A_22, %dma_start3A_137] : memref<416x16384xf32, #tpu.memory_space<hbm>> -> memref<1x4096xf32, #tpu.memory_space<hbm>>
      %dma_start3A_139 = tpu.memref_squeeze %dma_start3A_138 : memref<1x4096xf32, #tpu.memory_space<hbm>> -> memref<4096xf32, #tpu.memory_space<hbm>>
      tpu.enqueue_dma source(%arg8 : memref<4096xf32, #tpu.memory_space<vmem>>) target(%dma_start3A_139 : memref<4096xf32, #tpu.memory_space<hbm>>) target_semaphore(%arg10 : memref<!tpu.dma_semaphore, #tpu.memory_space<semaphore_mem>>)
    }
    %scan3A_7 = arith.constant 13 : i32
    %dma_wait3A = arith.constant 0 : i32
    %dma_wait3A_8 = arith.constant 0 : i32
    %dma_wait3A_9 = tpu.memref_slice %arg4[%dma_wait3A, %dma_wait3A_8] : memref<416x16384xf32, #tpu.memory_space<hbm>> -> memref<1x4096xf32, #tpu.memory_space<hbm>>
    %dma_wait3A_10 = tpu.memref_squeeze %dma_wait3A_9 : memref<1x4096xf32, #tpu.memory_space<hbm>> -> memref<4096xf32, #tpu.memory_space<hbm>>
    %dma_wait3A_11 = arith.constant 0 : i32
    %dma_wait3A_12 = tpu.memref_slice %arg4[%dma_wait3A, %dma_wait3A_11] : memref<416x16384xf32, #tpu.memory_space<hbm>> -> memref<1x4096xf32, #tpu.memory_space<hbm>>
    %dma_wait3A_13 = tpu.memref_squeeze %dma_wait3A_12 : memref<1x4096xf32, #tpu.memory_space<hbm>> -> memref<4096xf32, #tpu.memory_space<hbm>>
    tpu.wait_dma2 semaphore(%arg9 : memref<!tpu.dma_semaphore, #tpu.memory_space<semaphore_mem>>) src(%arg7 : memref<4096xf32, #tpu.memory_space<vmem>>) dst(%dma_wait3A_13 : memref<4096xf32, #tpu.memory_space<hbm>>)
    %dma_wait3A_14 = arith.constant 0 : i32
    %dma_wait3A_15 = arith.constant 0 : i32
    %dma_wait3A_16 = tpu.memref_slice %arg4[%dma_wait3A_14, %dma_wait3A_15] : memref<416x16384xf32, #tpu.memory_space<hbm>> -> memref<1x4096xf32, #tpu.memory_space<hbm>>
    %dma_wait3A_17 = tpu.memref_squeeze %dma_wait3A_16 : memref<1x4096xf32, #tpu.memory_space<hbm>> -> memref<4096xf32, #tpu.memory_space<hbm>>
    %dma_wait3A_18 = arith.constant 0 : i32
    %dma_wait3A_19 = tpu.memref_slice %arg4[%dma_wait3A_14, %dma_wait3A_18] : memref<416x16384xf32, #tpu.memory_space<hbm>> -> memref<1x4096xf32, #tpu.memory_space<hbm>>
    %dma_wait3A_20 = tpu.memref_squeeze %dma_wait3A_19 : memref<1x4096xf32, #tpu.memory_space<hbm>> -> memref<4096xf32, #tpu.memory_space<hbm>>
    tpu.wait_dma2 semaphore(%arg10 : memref<!tpu.dma_semaphore, #tpu.memory_space<semaphore_mem>>) src(%arg8 : memref<4096xf32, #tpu.memory_space<vmem>>) dst(%dma_wait3A_20 : memref<4096xf32, #tpu.memory_space<hbm>>)
    return
  }
}

</mosaic_0001>

<sc_bundles>
// kernel: _sc_rowsweep.3.cloned.1.call-start
scs
__scs_entry_jumppad:
0x0: {  	(pc) =	sbr.rel $0x88, $3  }
0x1: {  	(tag) =	ssettag $0x0;
	lr =	simm.s32 $0x1  }
0x2: {  	[smem:$0x3F9F] =	sst lr;
	_ =	strace $0xD0000000  }
0x3: {  	_ = 	snop  }
0x4: {  	_ = 	snop  }
0x5: {  	_ = 	snop  }
0x6: {  	_ = 	snop  }
0x7: {  	_ = 	snop  }
__scs_overlays_trampoline_lowered:
0x8: {  	[smem:$0x3FAE] =	sst s0  }
0x9: {  	[smem:$0x3FAF] =	sst s1  }
0xa: {  	[smem:$0x3FB0] =	sst s2  }
0xb: {  	[smem:$0x3FB1] =	sst s3  }
0xc: {  	[smem:$0x3FB2] =	sst s4  }
0xd: {  	[smem:$0x3FB3] =	sst s5  }
0xe: {  	[smem:$0x3FB4] =	sst s6  }
0xf: {  	[smem:$0x3FB5] =	sst s7  }
0x10: {  	[smem:$0x3FB6] =	sst s8  }
0x11: {  	[smem:$0x3FB7] =	sst s9;
	s0 =	simm.s32 @!p0 $0x0  }
0x12: {  	s1 =	sld [smem:$0x3F9D];
	s0 =	simm.s32 @p0 $0x1  }
0x13: {  	[smem:$0x3FB8] =	sst s0;
	s0 =	simm.s32 @!p1 $0x0  }
0x14: {  	s2 =	sld [smem:$0x3F9C];
	s0 =	simm.s32 @p1 $0x1  }
0x15: {  	[smem:$0x3FB9] =	sst s0;
	s0 =	simm.s32 @!p2 $0x0  }
0x16: {  	s3 =	sld [smem:$0x3FDB];
	s0 =	simm.s32 @p2 $0x1  }
0x17: {  	s4 =	simm.s32 $0x1BF5;
	[smem:$0x3FBB] =	sst s0  }
0x18: {  	s0 =	sld [smem:$0x3F9E];
	_ =	swait.ge [sflag:s4], $0x0  }
0x19: {  	s7 =	sld [smem:$0x3F9F]  }
0x1a: {  	s8 =	sadd.s32 $0xFFFFE003, lr  }
0x1b: {  	s9 =	sadd.s32 $0xFFFFFEF7, lr;
	s5 =	simm.s32 $0xFFFFFFFF;
	p2 =	slt.u32 s8, $0xFFFFF086  }
0x1c: {  	p1 =	slt.u32 s9, $0xF7A;
	s5 =	simm.s32 @!p2 $0x0  }
0x1d: {  	s5 =	simm.s32 @p1 $0x1;
	p0 =	seq.s32 s7, s2  }
0x1e: {  	s7 =	smul.u32 @!p0 $0xF7A, s2;
	p2 =	seq.s32 @!p0 s5, $0x0  }
0x1f: {  	s9 =	smul.u32 $0xF7A, s1;
	s8 =	simm.s32 @!p0 $0x1BF5;
	p2 =	por !p2, p0  }
0x20: {  	[sflag:s8] =	ssyncset.s32 @!p0 $0xFFFFF086;
	s6 =	sadd.s32 @!p0 s3, s7;
	s7 =	simm.s32 @!p0 $0x108  }
0x21: {  	s3 =	sadd.s32 s3, s9;
	s6 =	sadd.s32 @!p0 $0x88, s6;
	s7 =	simm.s32 @p2 $0x1082  }
0x22: {  	[simem:s7], [sflag:s8] =	dma.local @!p0 [hbm:s6], $0xF7A  }
0x23: {  	s9 =	sor.u32 $0xD0000000, s2;
	s6 =	simm.s32 $0x108;
	_ =	swait.ge @!p0 [sflag:s8], $0x0  }
0x24: {  	s3 =	sadd.s32 $0x88, s3;
	s6 =	simm.s32 @!p1 $0x1082;
	[sflag:s4] =	ssyncset.s32 $0xFFFFF086  }
0x25: {  	[simem:s6], [sflag:s4] =	dma.local [hbm:s3], $0xF7A  }
0x26: {  	[smem:$0x3F9F] =	sst s1;
	(tag) =	ssettag s2;
	_ =	strace s9  }
0x27: {  	s1 =	sld [smem:$0x3FAF]  }
0x28: {  	s2 =	sld [smem:$0x3FB0]  }
0x29: {  	s4 =	sld [smem:$0x3FB2]  }
0x2a: {  	p0 =	seq.s32 s5, $0x0;
	s5 =	sld [smem:$0x3FB3]  }
0x2b: {  	s6 =	sld [smem:$0x3FB4]  }
0x2c: {  	s7 =	sld [smem:$0x3FB5]  }
0x2d: {  	s3 =	simm.s32 $0x108;
	s8 =	sld [smem:$0x3FB6]  }
0x2e: {  	s3 =	simm.s32 @!p0 $0x1082;
	s9 =	sld [smem:$0x3FB7]  }
0x2f: {  	lr =	sadd.s32 s0, s3;
	s0 =	sld [smem:$0x3FAE]  }
0x30: {  	s3 =	sld [smem:$0x3FB1]  }
0x31: {  	[smem:$0x3FBA] =	sst s10  }
0x32: {  	s10 =	sld [smem:$0x3FB8];
	_ =	sdelay $0x3  }
0x33: {  	p0 =	seq.s32 s10, $0x1;
	s10 =	sld [smem:$0x3FBA];
	_ =	sdelay $0x3  }
0x34: {  	[smem:$0x3FBA] =	sst s10  }
0x35: {  	s10 =	sld [smem:$0x3FB9];
	_ =	sdelay $0x3  }
0x36: {  	p1 =	seq.s32 s10, $0x1;
	s10 =	sld [smem:$0x3FBA];
	_ =	sdelay $0x3  }
0x37: {  	[smem:$0x3FBA] =	sst s10  }
0x38: {  	s10 =	sld [smem:$0x3FBB]  }
0x39: {  	_ = 	snop;
	(pc) =	sbr.ind lr, $3  }
0x3a: {  	_ = 	snop  }
0x3b: {  	_ = 	snop  }
0x3c: {  	p2 =	seq.s32 s10, $0x1;
	s10 =	sld [smem:$0x3FBA]  }
0x3d: {  	_ =	shalt  }
0x3e: {  	_ =	shalt  }
0x3f: {  	_ =	shalt  }
0x40: {  	_ =	shalt  }
0x41: {  	_ =	shalt  }
0x42: {  	_ =	shalt  }
0x43: {  	_ =	shalt  }
0x44: {  	_ =	shalt  }
0x45: {  	_ =	shalt  }
0x46: {  	_ =	shalt  }
0x47: {  	_ =	shalt  }
0x48: {  	_ =	shalt  }
0x49: {  	_ =	shalt  }
0x4a: {  	_ =	shalt  }
0x4b: {  	_ =	shalt  }
0x4c: {  	_ =	shalt  }
0x4d: {  	_ =	shalt  }
0x4e: {  	_ =	shalt  }
0x4f: {  	_ =	shalt  }
0x50: {  	_ =	shalt  }
0x51: {  	_ =	shalt  }
0x52: {  	_ =	shalt  }
0x53: {  	_ =	shalt  }
0x54: {  	_ =	shalt  }
0x55: {  	_ =	shalt  }
0x56: {  	_ =	shalt  }
0x57: {  	_ =	shalt  }
0x58: {  	_ =	shalt  }
0x59: {  	_ =	shalt  }
0x5a: {  	_ =	shalt  }
0x5b: {  	_ =	shalt  }
0x5c: {  	_ =	shalt  }
0x5d: {  	_ =	shalt  }
0x5e: {  	_ =	shalt  }
0x5f: {  	_ =	shalt  }
0x60: {  	_ =	shalt  }
0x61: {  	_ =	shalt  }
0x62: {  	_ =	shalt  }
0x63: {  	_ =	shalt  }
0x64: {  	_ =	shalt  }
0x65: {  	_ =	shalt  }
0x66: {  	_ =	shalt  }
0x67: {  	_ =	shalt  }
0x68: {  	_ =	shalt  }
0x69: {  	_ =	shalt  }
0x6a: {  	_ =	shalt  }
0x6b: {  	_ =	shalt  }
0x6c: {  	_ =	shalt  }
0x6d: {  	_ =	shalt  }
0x6e: {  	_ =	shalt  }
0x6f: {  	_ =	shalt  }
0x70: {  	_ =	shalt  }
0x71: {  	_ =	shalt  }
0x72: {  	_ =	shalt  }
0x73: {  	_ =	shalt  }
0x74: {  	_ =	shalt  }
0x75: {  	_ =	shalt  }
0x76: {  	_ =	shalt  }
0x77: {  	_ =	shalt  }
0x78: {  	_ =	shalt  }
0x79: {  	_ =	shalt  }
0x7a: {  	_ =	shalt  }
0x7b: {  	_ =	shalt  }
0x7c: {  	_ =	shalt  }
0x7d: {  	_ =	shalt  }
0x7e: {  	_ =	shalt  }
0x7f: {  	_ =	shalt  }
0x80: {  	_ =	shalt  }
0x81: {  	_ =	shalt  }
0x82: {  	_ =	shalt  }
0x83: {  	_ =	shalt  }
0x84: {  	_ =	shalt  }
0x85: {  	_ =	shalt  }
0x86: {  	_ =	shalt  }
0x87: {  	_ =	shalt  }
.Lfunc_end0:
.L_simem_size_0:
called_computation_lowered:
.L_overlay_start_0:
0x88: {  	s2 =	sld [smem:$0x3FD9]  }
0x89: {  	s3 =	sld [smem:$0x3FFE];
	_ =	sdelay $0x1  }
0x8a: {  	s1 =	srdreg.scid  }
0x8b: {  	s0 =	sand.u32 $0x1, s1  }
0x8c: {  	s18 =	sshll.u32 s0, $0xA;
	s2 =	sadd.s32 s3, s2  }
0x8d: {  	s2 =	sadd.s32 s2, s18  }
0x8e: {  	[smem:$0x3FC6] =	sst s2  }
0x8f: {  	_ = 	snop  }
0x90: {  	s2 =	sld [smem:$0x3FC9]  }
0x91: {  	s19 =	sld [smem:$0x3FC8]  }
0x92: {  	s4 =	sld [smem:$0x3FD0];
	(tm) =	ssettm $0x1  }
0x93: {  	s5 =	sld [smem:$0x3FFB];
	_ =	sdelay $0x3  }
0x94: {  	_ =	strace s5  }
0x95: {  	s5 =	sld [smem:$0x3FFC];
	_ =	sdelay $0x3  }
0x96: {  	_ =	strace s5  }
0x97: {  	s5 =	sld [smem:$0x3FFD];
	_ =	sdelay $0x3  }
0x98: {  	_ =	strace s5  }
0x99: {  	_ =	strace $0x8FFFFFFF  }
0x9a: {  	s20 =	sld [smem:$0x3FDB];
	_ =	sdelay $0x1  }
0x9b: {  	s6 =	simm.s32 $_scs_section_size  }
0x9c: {  	s7 =	simm.s32 $_size__tile_overlayer_lowered;
	s8 =	simm.s32 $_tile_overlayer_lowered  }
0x9d: {  	s23 =	simm.s32 $0x1BFF;
	s22 =	sshll.u32 s8, $0x1;
	s5 =	sadd.s32 s6, s20  }
0x9e: {  	s9 =	simm.s32 $0x0;
	s21 =	sshll.u32 s7, $0x1;
	s7 =	sadd.s32 s22, s5  }
0x9f: {  	[timem:s9], [sflag:s23] =	dma.local [hbm:s7], s21  }
0xa0: {  	_ =	swait.ge [sflag:s23], s21  }
0xa1: {  	s6 =	ssub.s32 $0x0, s21;
	[sflag:s23] =	ssyncset.done $0x0  }
0xa2: {  	[sflag:s23] =	ssyncadd.s32 s6;
	_ =	sdelay $0x1  }
0xa3: {  	s24 =	simm.s32 $0x1B8B  }
0xa4: {  	_ =	swait.ge [sflag:s24], $0x1  }
0xa5: {  	[sflag:s24] =	ssyncset.done $0x0  }
0xa6: {  	s25 =	simm.s32 $0x1B8E;
	[sflag:s24] =	ssyncadd.s32 $0xFFFFFFFF  }
0xa7: {  	s26 =	simm.s32 $execute0_lowered;
	[smem:$0x3FD2] =	sst s25  }
0xa8: {  	s6 =	sshll.u32 s26, $0x1;
	_ =	strace $0x80000046;
	[dreg:$0x1] =	wrdreg $0xFFFFFFFF  }
0xa9: {  	s28 =	simm.s32 $_size_execute0_lowered;
	s5 =	sadd.s32 s5, s6;
	[dreg:$0x0] =	wrdreg $0x0  }
0xaa: {  	s6 =	sshll.u32 s28, $0x1;
	[dreg:$0x2] =	wrdreg s5  }
0xab: {  	[dreg:$0x3] =	wrdreg s6  }
0xac: {  	[dreg:$0x4] =	wrdreg $0xC0  }
0xad: {  	_ =	task [dreg:s9], $0x5FFFF  }
0xae: {  	[dreg:$0x1] =	wrdreg $0xFFFFFFFF  }
0xaf: {  	[dreg:$0x0] =	wrdreg $0x60  }
0xb0: {  	[dreg:$0x2] =	wrdreg s2  }
0xb1: {  	[dreg:$0x3] =	wrdreg s19  }
0xb2: {  	[dreg:$0x4] =	wrdreg s4  }
0xb3: {  	[dreg:$0x5] =	wrdreg $0x9  }
0xb4: {  	_ =	task.clear_ibuf [dreg:s9], $0x6FFFF;
	_ =	strace $0x90000046  }
0xb5: {  	s29 =	simm.s32 $0x9;
	_ =	strace $0x80000048  }
0xb6: {  	_ =	swait.ge [sflag:s29], $0x1  }
0xb7: {  	[sflag:s29] =	ssyncadd.s32 $0xFFFFFFFF  }
0xb8: {  	_ =	strace $0x90000048  }
0xb9: {  	_ =	sfence  }
0xba: {  	s30 =	sld [smem:$0x0];
	_ =	sdelay $0x2  }
0xbb: {  	s31 =	sshll.u32 s1, $0xD;
	s1 =	sshrl.u32 s1, $0x2  }
0xbc: {  	s3 =	sand.u32 $0x4000, s31;
	s1 =	sadd.s32 s1, s30  }
0xbd: {  	s0 =	sor.u32 s3, s0;
	s1 =	sshll.u32 s1, $0x11  }
0xbe: {  	s0 =	sor.u32 s1, s0  }
0xbf: {  	s0 =	sadd.s32 $0x8F2B, s0  }
0xc0: {  	[sflag:s0] =	ssyncadd.remote.s32 $0x1  }
0xc1: {  	_ =	sfence.sel $0xFFFF  }
0xc2: {  	[dreg:$0x0] =	wrdreg $0xFFFFFFFF;
	(pc) =	sbr.abs _section_cstart, $3  }
0xc3: {  	[dreg:$0x1] =	wrdreg $0xFFFFFFFF  }
0xc4: {  	_ =	task.clear_ibuf [dreg:s9], $0x2FFFF;
	_ =	strace $0x9FFFFFFF  }
0xc5: {  	(tm) =	ssettm $0x7FFFFFFF  }
tec
execute0_lowered:
.L_overlay_start_1:
0x0: {  	(tag) =	ssettag $0x1  }
0x1: {  	s1 =	rddreg [dreg:$0x0]  }
0x2: {  	s2 =	rddreg [dreg:$0x1]  }
0x3: {  	s4 =	rddreg [dreg:$0x2]  }
0x4: {  	s0 =	rddreg [dreg:$0x3];
	s6 =	srdreg.scid  }
0x5: {  	s5 =	simm.s32 $0x0;
	s3 =	stileid.u32;
	s11 =	simm.s32 $0x1  }
0x6: {  	s12 =	simm.s32 $0x80;
	s13 =	simm.s32 $0x400;
	s14 =	simm.s32 $0x18700  }
0x7: {  	s15 =	simm.s32 $0x3;
	s16 =	simm.s32 $0x1C700;
	s17 =	simm.s32 $0x1D700  }
0x8: {  	s18 =	simm.s32 $0x2;
	s19 =	simm.s32 $0x0;
	s6 =	sand.u32 $0x1, s6  }
0x9: {  	[smem:$0x7FF] =	sst s5;
	s8 =	sshll.u32 s3, $0x1;
	s7 =	ssub.s32 $0x2, s6  }
0xa: {  	_ =	strace $0x80000047;
	s6 =	sor.u32 s6, s8;
	s9 =	sshrl.u32 s7, $0x1  }
0xb: {  	s8 =	sadd.s32 $0x2000, s4;
	s6 =	smul.u32 $0xD, s6;
	s10 =	ssub.s32 s7, s9  }
0xc: {  	s7 =	sadd.s32 $0x1000, s4;
	s9 =	sadd.s32 $0x3000, s4;
	s10 =	smax.u32 s10, $0x1  }
.LBB2_1:
0xd: {  	s20 =	simm.s32 $0x0  }
.LBB2_2:
0xe: {  	s21 =	sadd.s32 s6, s20  }
0xf: {  	s22 =	sadd.s32 $0xFFFFFFFF, s21  }
0x10: {  	s23 =	sand.u32 $0xF, s22  }
0x11: {  	p0 =	slt.u32 s21, $0x2;
	s24 =	sshra.s32 s22, $0x1F;
	p1 =	sne.s32 s23, $0x0  }
0x12: {  	s26 =	sshrl.u32 s24, $0x1C;
	p0 =	por !p0, !p1  }
0x13: {  	s23 =	simm.s32 $0x1;
	s22 =	sadd.s32 s26, s22;
	p0 =	por !p0, !p0  }
0x14: {  	s28 =	sshra.s32 s22, $0x4;
	s23 =	simm.s32 @!p0 $0x0  }
0x15: {  	s22 =	sshrl.u32 s21, $0x4;
	p0 =	seq.s32 s20, $0x0;
	s23 =	ssub.s32 s28, s23  }
0x16: {  	p1 =	seq.s32 @!p0 s22, s23  }
0x17: {  	p1 =	por p0, !p1  }
0x18: {  	s23 =	sshll.u32 @p1 s22, $0xB;
	s24 =	sand.u32 @p1 $0x70, s21  }
0x19: {  	s23 =	sand.u32 @p1 $0xFFFC000, s23;
	s24 =	sadd.s32 @p1 s2, s24  }
0x1a: {  	s29 =	sshll.u32 s21, $0x1C;
	s23 =	sadd.s32 @p1 s23, s24  }
0x1b: {  	[tilespmem:s14], [sflag:$0x3] =	stream.strided.gather @p1 [hbm4b:s23+s12], $0x4000, s13, s12, $0x38;
	[tilespmem:$0x1E700] =	vst v63  }
0x1c: {  	s22 =	smul.u32 $0x187000, s22;
	s23 =	sshra.s32 s29, $0x1F  }
0x1d: {  	s30 =	sshll.u32 s21, $0x7;
	s23 =	sand.u32 $0xC3800, s23  }
0x1e: {  	s23 =	sadd.s32 s22, s23;
	s22 =	sand.u32 $0x380, s30  }
0x1f: {  	_ =	swait.ge @p1 [sflag:s15], $0x4000;
	s23 =	sor.u32 s22, s23  }
0x20: {  	[sflag:s15] =	ssyncset.done @p1 $0x0;
	s23 =	sshrl.u32 s23, $0x3  }
0x21: {  	[sflag:s15] =	ssyncadd.s32 @p1 $0xFFFFC000;
	s23 =	sadd.s32 s1, s23  }
0x22: {  	[tilespmem:s5], [sflag:$0x3] =	stream.strided.gather [hbm4b:s23+s12], $0x18700, s13, s12, $0x38;
	[tilespmem:$0x1E700] =	vst v63  }
0x23: {  	_ =	swait.ge [sflag:s15], $0x18700  }
0x24: {  	[sflag:s15] =	ssyncset.done $0x0  }
0x25: {  	s23 =	simm.s32 @!p0 $0x1;
	[sflag:s15] =	ssyncadd.s32 $0xFFFE7900  }
0x26: {  	_ =	swait.ge @!p0 [sflag:s23], $0x1000  }
0x27: {  	[sflag:s23] =	ssyncset.done @!p0 $0x0  }
0x28: {  	s31 =	simm.s32 $0x18740;
	[sflag:s23] =	ssyncadd.s32 @!p0 $0xFFFFF000  }
0x29: {  	v0 =	vld [tilespmem:s31+$0x30]  }
0x2a: {  	v1 =	vld [tilespmem:s31+$0xFFFFFFD0]  }
0x2b: {  	v2 =	vld [tilespmem:s31+$0xFFFFFFE0]  }
0x2c: {  	v3 =	vld [tilespmem:s31+$0xFFFFFFF0]  }
0x2d: {  	v6 =	vld [tilespmem:s31+$0x0]  }
0x2e: {  	v7 =	vld [tilespmem:s31+$0x10]  }
0x2f: {  	v8 =	vld [tilespmem:s31+$0x20]  }
0x30: {  	v9 =	vld [tilespmem:s31+$0xFFFFFFC0]  }
0x31: {  	v10 =	vld.idx.msk [tilespmem:v0+s5+$0x0], $0xffff  }
0x32: {  	v11 =	vld.idx.msk [tilespmem:v1+s5+$0x0], $0xffff  }
0x33: {  	v5 =	vld.idx.msk [tilespmem:v2+s5+$0x0], $0xffff  }
0x34: {  	v4 =	vld.idx.msk [tilespmem:v3+s5+$0x0], $0xffff  }
0x35: {  	v3 =	vld.idx.msk [tilespmem:v6+s5+$0x0], $0xffff  }
0x36: {  	s23 =	simm.s32 $0x1C740;
	v1 =	vld.idx.msk [tilespmem:v7+s5+$0x0], $0xffff  }
0x37: {  	v0 =	vld.idx.msk [tilespmem:v8+s5+$0x0], $0xffff;
	[tilespmem:s23+$0x30] =	vst v10  }
0x38: {  	s25 =	simm.s32 $0x187C0;
	s24 =	simm.s32 $0x0;
	v2 =	vld.idx.msk [tilespmem:v9+s5+$0x0], $0xffff;
	[tilespmem:s23+$0xFFFFFFD0] =	vst v11  }
.LBB2_3:
0x39: {  	v6 =	vld [tilespmem:s25+$0x30];
	s24 =	sadd.s32 $0x8, s24;
	[tilespmem:s23+$0xFFFFFFE0] =	vst v5  }
0x3a: {  	v5 =	vld [tilespmem:s25+$0xFFFFFFD0];
	p1 =	slt.u32 s24, $0xF8;
	[tilespmem:s23+$0xFFFFFFF0] =	vst v4  }
0x3b: {  	v4 =	vld [tilespmem:s25+$0xFFFFFFE0];
	[tilespmem:s23+$0x0] =	vst v3  }
0x3c: {  	v3 =	vld [tilespmem:s25+$0xFFFFFFF0];
	[tilespmem:s23+$0x10] =	vst v1  }
0x3d: {  	v1 =	vld [tilespmem:s25+$0x0];
	[tilespmem:s23+$0x20] =	vst v0  }
0x3e: {  	v0 =	vld [tilespmem:s25+$0x10];
	[tilespmem:s23+$0xFFFFFFC0] =	vst v2  }
0x3f: {  	v2 =	vld [tilespmem:s25+$0x20]  }
0x40: {  	v7 =	vld [tilespmem:s25+$0xFFFFFFC0]  }
0x41: {  	v6 =	vld.idx.msk [tilespmem:v6+s5+$0x0], $0xffff  }
0x42: {  	v8 =	vld.idx.msk [tilespmem:v5+s5+$0x0], $0xffff  }
0x43: {  	v5 =	vld.idx.msk [tilespmem:v4+s5+$0x0], $0xffff  }
.Ltmp0:
0x44: {  	v4 =	vld.idx.msk [tilespmem:v3+s5+$0x0], $0xffff;
	(pc) =	sbr.rel @p1 .LBB2_3-.Ltmp0, $4  }
0x45: {  	v3 =	vld.idx.msk [tilespmem:v1+s5+$0x0], $0xffff  }
0x46: {  	s23 =	sadd.s32 $0x80, s23;
	v1 =	vld.idx.msk [tilespmem:v0+s5+$0x0], $0xffff  }
0x47: {  	v0 =	vld.idx.msk [tilespmem:v2+s5+$0x0], $0xffff;
	[tilespmem:s23+$0x30] =	vst v6  }
0x48: {  	s25 =	sadd.s32 $0x80, s25;
	v2 =	vld.idx.msk [tilespmem:v7+s5+$0x0], $0xffff;
	[tilespmem:s23+$0xFFFFFFD0] =	vst v8  }
0x49: {  	[tilespmem:s23+$0xFFFFFFE0] =	vst v5  }
0x4a: {  	[tilespmem:s23+$0xFFFFFFF0] =	vst v4;
	s21 =	sshll.u32 s21, $0xE  }
0x4b: {  	[tilespmem:s23+$0x0] =	vst v3;
	s21 =	sand.u32 $0x7FFE0000, s21  }
0x4c: {  	[tilespmem:s23+$0x10] =	vst v1;
	s21 =	sor.u32 s22, s21  }
0x4d: {  	[tilespmem:s23+$0x20] =	vst v0;
	s21 =	sshrl.u32 s21, $0x3  }
0x4e: {  	s22 =	simm.s32 @!p0 $0x2;
	[tilespmem:s23+$0xFFFFFFC0] =	vst v2;
	s30 =	sadd.s32 s4, s21  }
0x4f: {  	[hbm4b:s30+s12] =	stream.strided.scatter [tilespmem:s16], [sflag:$0x1], $0x1000, s13, s12, $0x38;
	[tilespmem:$0x1E700] =	vst v63  }
0x50: {  	_ =	swait.ge @!p0 [sflag:s22], $0x1000  }
0x51: {  	[sflag:s22] =	ssyncset.done @!p0 $0x0  }
0x52: {  	s31 =	simm.s32 $0x19770;
	[sflag:s22] =	ssyncadd.s32 @!p0 $0xFFFFF000  }
0x53: {  	v0 =	vld [tilespmem:s31+$0x0]  }
0x54: {  	v1 =	vld [tilespmem:s31+$0xFFFFFFA0]  }
0x55: {  	v2 =	vld [tilespmem:s31+$0xFFFFFFB0]  }
0x56: {  	v3 =	vld [tilespmem:s31+$0xFFFFFFC0]  }
0x57: {  	v4 =	vld [tilespmem:s31+$0xFFFFFFD0]  }
0x58: {  	v6 =	vld [tilespmem:s31+$0xFFFFFFE0]  }
0x59: {  	v7 =	vld [tilespmem:s31+$0xFFFFFFF0]  }
0x5a: {  	v8 =	vld [tilespmem:s31+$0xFFFFFF90]  }
0x5b: {  	v9 =	vld.idx.msk [tilespmem:v0+s5+$0x0], $0xffff  }
0x5c: {  	v10 =	vld.idx.msk [tilespmem:v1+s5+$0x0], $0xffff  }
0x5d: {  	v5 =	vld.idx.msk [tilespmem:v2+s5+$0x0], $0xffff  }
0x5e: {  	v3 =	vld.idx.msk [tilespmem:v3+s5+$0x0], $0xffff  }
0x5f: {  	v0 =	vld.idx.msk [tilespmem:v4+s5+$0x0], $0xffff  }
0x60: {  	s22 =	simm.s32 $0x1D740;
	v1 =	vld.idx.msk [tilespmem:v6+s5+$0x0], $0xffff  }
0x61: {  	v2 =	vld.idx.msk [tilespmem:v7+s5+$0x0], $0xffff;
	[tilespmem:s22+$0x30] =	vst v9  }
0x62: {  	s24 =	simm.s32 $0x197F0;
	s23 =	simm.s32 $0x0;
	v4 =	vld.idx.msk [tilespmem:v8+s5+$0x0], $0xffff;
	[tilespmem:s22+$0xFFFFFFD0] =	vst v10  }
.LBB2_5:
0x63: {  	v6 =	vld [tilespmem:s24+$0x0];
	s23 =	sadd.s32 $0x8, s23;
	[tilespmem:s22+$0xFFFFFFE0] =	vst v5  }
0x64: {  	v5 =	vld [tilespmem:s24+$0xFFFFFFA0];
	p0 =	slt.u32 s23, $0xF8;
	[tilespmem:s22+$0xFFFFFFF0] =	vst v3  }
0x65: {  	v3 =	vld [tilespmem:s24+$0xFFFFFFB0];
	[tilespmem:s22+$0x0] =	vst v0  }
0x66: {  	v0 =	vld [tilespmem:s24+$0xFFFFFFC0];
	[tilespmem:s22+$0x10] =	vst v1  }
0x67: {  	v1 =	vld [tilespmem:s24+$0xFFFFFFD0];
	[tilespmem:s22+$0x20] =	vst v2  }
0x68: {  	v2 =	vld [tilespmem:s24+$0xFFFFFFE0];
	[tilespmem:s22+$0xFFFFFFC0] =	vst v4  }
0x69: {  	v4 =	vld [tilespmem:s24+$0xFFFFFFF0]  }
0x6a: {  	v7 =	vld [tilespmem:s24+$0xFFFFFF90]  }
0x6b: {  	v6 =	vld.idx.msk [tilespmem:v6+s5+$0x0], $0xffff  }
0x6c: {  	v8 =	vld.idx.msk [tilespmem:v5+s5+$0x0], $0xffff  }
0x6d: {  	v5 =	vld.idx.msk [tilespmem:v3+s5+$0x0], $0xffff  }
.Ltmp1:
0x6e: {  	v3 =	vld.idx.msk [tilespmem:v0+s5+$0x0], $0xffff;
	(pc) =	sbr.rel @p0 .LBB2_5-.Ltmp1, $4  }
0x6f: {  	v0 =	vld.idx.msk [tilespmem:v1+s5+$0x0], $0xffff  }
0x70: {  	s22 =	sadd.s32 $0x80, s22;
	v1 =	vld.idx.msk [tilespmem:v2+s5+$0x0], $0xffff  }
0x71: {  	v2 =	vld.idx.msk [tilespmem:v4+s5+$0x0], $0xffff;
	[tilespmem:s22+$0x30] =	vst v6  }
0x72: {  	s24 =	sadd.s32 $0x80, s24;
	v4 =	vld.idx.msk [tilespmem:v7+s5+$0x0], $0xffff;
	[tilespmem:s22+$0xFFFFFFD0] =	vst v8  }
0x73: {  	[tilespmem:s22+$0xFFFFFFE0] =	vst v5  }
0x74: {  	[tilespmem:s22+$0xFFFFFFF0] =	vst v3  }
0x75: {  	[tilespmem:s22+$0x0] =	vst v0  }
0x76: {  	[tilespmem:s22+$0x10] =	vst v1  }
0x77: {  	[tilespmem:s22+$0x20] =	vst v2  }
0x78: {  	s30 =	sadd.s32 s21, s7;
	[tilespmem:s22+$0xFFFFFFC0] =	vst v4  }
0x79: {  	[hbm4b:s30+s12] =	stream.strided.scatter [tilespmem:s17], [sflag:$0x2], $0x1000, s13, s12, $0x38;
	[tilespmem:$0x1E700] =	vst v63  }
0x7a: {  	_ =	swait.ge [sflag:s11], $0x1000  }
0x7b: {  	[sflag:s11] =	ssyncset.done $0x0  }
0x7c: {  	s31 =	simm.s32 $0x1A770;
	[sflag:s11] =	ssyncadd.s32 $0xFFFFF000  }
0x7d: {  	v0 =	vld [tilespmem:s31+$0x0]  }
0x7e: {  	v1 =	vld [tilespmem:s31+$0xFFFFFFA0]  }
0x7f: {  	v2 =	vld [tilespmem:s31+$0xFFFFFFB0]  }
0x80: {  	v3 =	vld [tilespmem:s31+$0xFFFFFFC0]  }
0x81: {  	v4 =	vld [tilespmem:s31+$0xFFFFFFD0]  }
0x82: {  	v6 =	vld [tilespmem:s31+$0xFFFFFFE0]  }
0x83: {  	v7 =	vld [tilespmem:s31+$0xFFFFFFF0]  }
0x84: {  	v8 =	vld [tilespmem:s31+$0xFFFFFF90]  }
0x85: {  	v9 =	vld.idx.msk [tilespmem:v0+s5+$0x0], $0xffff  }
0x86: {  	v10 =	vld.idx.msk [tilespmem:v1+s5+$0x0], $0xffff  }
0x87: {  	v5 =	vld.idx.msk [tilespmem:v2+s5+$0x0], $0xffff  }
0x88: {  	v3 =	vld.idx.msk [tilespmem:v3+s5+$0x0], $0xffff  }
0x89: {  	v0 =	vld.idx.msk [tilespmem:v4+s5+$0x0], $0xffff  }
0x8a: {  	s22 =	simm.s32 $0x1C740;
	v1 =	vld.idx.msk [tilespmem:v6+s5+$0x0], $0xffff  }
0x8b: {  	v2 =	vld.idx.msk [tilespmem:v7+s5+$0x0], $0xffff;
	[tilespmem:s22+$0x30] =	vst v9  }
0x8c: {  	s23 =	simm.s32 $0x0;
	s24 =	simm.s32 $0x1A7F0;
	v4 =	vld.idx.msk [tilespmem:v8+s5+$0x0], $0xffff;
	[tilespmem:s22+$0xFFFFFFD0] =	vst v10  }
.LBB2_7:
0x8d: {  	v6 =	vld [tilespmem:s24+$0x0];
	s23 =	sadd.s32 $0x8, s23;
	[tilespmem:s22+$0xFFFFFFE0] =	vst v5  }
0x8e: {  	v5 =	vld [tilespmem:s24+$0xFFFFFFA0];
	p0 =	slt.u32 s23, $0xF8;
	[tilespmem:s22+$0xFFFFFFF0] =	vst v3  }
0x8f: {  	v3 =	vld [tilespmem:s24+$0xFFFFFFB0];
	[tilespmem:s22+$0x0] =	vst v0  }
0x90: {  	v0 =	vld [tilespmem:s24+$0xFFFFFFC0];
	[tilespmem:s22+$0x10] =	vst v1  }
0x91: {  	v1 =	vld [tilespmem:s24+$0xFFFFFFD0];
	[tilespmem:s22+$0x20] =	vst v2  }
0x92: {  	v2 =	vld [tilespmem:s24+$0xFFFFFFE0];
	[tilespmem:s22+$0xFFFFFFC0] =	vst v4  }
0x93: {  	v4 =	vld [tilespmem:s24+$0xFFFFFFF0]  }
0x94: {  	v7 =	vld [tilespmem:s24+$0xFFFFFF90]  }
0x95: {  	v6 =	vld.idx.msk [tilespmem:v6+s5+$0x0], $0xffff  }
0x96: {  	v8 =	vld.idx.msk [tilespmem:v5+s5+$0x0], $0xffff  }
0x97: {  	v5 =	vld.idx.msk [tilespmem:v3+s5+$0x0], $0xffff  }
.Ltmp2:
0x98: {  	v3 =	vld.idx.msk [tilespmem:v0+s5+$0x0], $0xffff;
	(pc) =	sbr.rel @p0 .LBB2_7-.Ltmp2, $4  }
0x99: {  	v0 =	vld.idx.msk [tilespmem:v1+s5+$0x0], $0xffff  }
0x9a: {  	s22 =	sadd.s32 $0x80, s22;
	v1 =	vld.idx.msk [tilespmem:v2+s5+$0x0], $0xffff  }
0x9b: {  	v2 =	vld.idx.msk [tilespmem:v4+s5+$0x0], $0xffff;
	[tilespmem:s22+$0x30] =	vst v6  }
0x9c: {  	s24 =	sadd.s32 $0x80, s24;
	v4 =	vld.idx.msk [tilespmem:v7+s5+$0x0], $0xffff;
	[tilespmem:s22+$0xFFFFFFD0] =	vst v8  }
0x9d: {  	[tilespmem:s22+$0xFFFFFFE0] =	vst v5  }
0x9e: {  	[tilespmem:s22+$0xFFFFFFF0] =	vst v3  }
0x9f: {  	[tilespmem:s22+$0x0] =	vst v0  }
0xa0: {  	[tilespmem:s22+$0x10] =	vst v1  }
0xa1: {  	[tilespmem:s22+$0x20] =	vst v2  }
0xa2: {  	s30 =	sadd.s32 s21, s8;
	[tilespmem:s22+$0xFFFFFFC0] =	vst v4  }
0xa3: {  	[hbm4b:s30+s12] =	stream.strided.scatter [tilespmem:s16], [sflag:$0x1], $0x1000, s13, s12, $0x38;
	[tilespmem:$0x1E700] =	vst v63  }
0xa4: {  	_ =	swait.ge [sflag:s18], $0x1000  }
0xa5: {  	[sflag:s18] =	ssyncset.done $0x0  }
0xa6: {  	s31 =	simm.s32 $0x1B770;
	[sflag:s18] =	ssyncadd.s32 $0xFFFFF000  }
0xa7: {  	v0 =	vld [tilespmem:s31+$0x0]  }
0xa8: {  	v1 =	vld [tilespmem:s31+$0xFFFFFFA0]  }
0xa9: {  	v2 =	vld [tilespmem:s31+$0xFFFFFFB0]  }
0xaa: {  	v3 =	vld [tilespmem:s31+$0xFFFFFFC0]  }
0xab: {  	v4 =	vld [tilespmem:s31+$0xFFFFFFD0]  }
0xac: {  	v6 =	vld [tilespmem:s31+$0xFFFFFFE0]  }
0xad: {  	v7 =	vld [tilespmem:s31+$0xFFFFFFF0]  }
0xae: {  	v8 =	vld [tilespmem:s31+$0xFFFFFF90]  }
0xaf: {  	v9 =	vld.idx.msk [tilespmem:v0+s5+$0x0], $0xffff  }
0xb0: {  	v10 =	vld.idx.msk [tilespmem:v1+s5+$0x0], $0xffff  }
0xb1: {  	v5 =	vld.idx.msk [tilespmem:v2+s5+$0x0], $0xffff  }
0xb2: {  	v3 =	vld.idx.msk [tilespmem:v3+s5+$0x0], $0xffff  }
0xb3: {  	v0 =	vld.idx.msk [tilespmem:v4+s5+$0x0], $0xffff  }
0xb4: {  	s22 =	simm.s32 $0x1D740;
	v1 =	vld.idx.msk [tilespmem:v6+s5+$0x0], $0xffff  }
0xb5: {  	v2 =	vld.idx.msk [tilespmem:v7+s5+$0x0], $0xffff;
	[tilespmem:s22+$0x30] =	vst v9  }
0xb6: {  	s23 =	simm.s32 $0x0;
	s24 =	simm.s32 $0x1B7F0;
	v4 =	vld.idx.msk [tilespmem:v8+s5+$0x0], $0xffff;
	[tilespmem:s22+$0xFFFFFFD0] =	vst v10  }
.LBB2_9:
0xb7: {  	v6 =	vld [tilespmem:s24+$0x0];
	s23 =	sadd.s32 $0x8, s23;
	[tilespmem:s22+$0xFFFFFFE0] =	vst v5  }
0xb8: {  	v5 =	vld [tilespmem:s24+$0xFFFFFFA0];
	p0 =	slt.u32 s23, $0xF8;
	[tilespmem:s22+$0xFFFFFFF0] =	vst v3  }
0xb9: {  	v3 =	vld [tilespmem:s24+$0xFFFFFFB0];
	[tilespmem:s22+$0x0] =	vst v0  }
0xba: {  	v0 =	vld [tilespmem:s24+$0xFFFFFFC0];
	[tilespmem:s22+$0x10] =	vst v1  }
0xbb: {  	v1 =	vld [tilespmem:s24+$0xFFFFFFD0];
	[tilespmem:s22+$0x20] =	vst v2  }
0xbc: {  	v2 =	vld [tilespmem:s24+$0xFFFFFFE0];
	[tilespmem:s22+$0xFFFFFFC0] =	vst v4  }
0xbd: {  	v4 =	vld [tilespmem:s24+$0xFFFFFFF0]  }
0xbe: {  	v7 =	vld [tilespmem:s24+$0xFFFFFF90]  }
0xbf: {  	v6 =	vld.idx.msk [tilespmem:v6+s5+$0x0], $0xffff  }
0xc0: {  	v8 =	vld.idx.msk [tilespmem:v5+s5+$0x0], $0xffff  }
0xc1: {  	v5 =	vld.idx.msk [tilespmem:v3+s5+$0x0], $0xffff  }
.Ltmp3:
0xc2: {  	v3 =	vld.idx.msk [tilespmem:v0+s5+$0x0], $0xffff;
	(pc) =	sbr.rel @p0 .LBB2_9-.Ltmp3, $4  }
0xc3: {  	v0 =	vld.idx.msk [tilespmem:v1+s5+$0x0], $0xffff  }
0xc4: {  	s22 =	sadd.s32 $0x80, s22;
	v1 =	vld.idx.msk [tilespmem:v2+s5+$0x0], $0xffff  }
0xc5: {  	v2 =	vld.idx.msk [tilespmem:v4+s5+$0x0], $0xffff;
	[tilespmem:s22+$0x30] =	vst v6  }
0xc6: {  	s24 =	sadd.s32 $0x80, s24;
	v4 =	vld.idx.msk [tilespmem:v7+s5+$0x0], $0xffff;
	[tilespmem:s22+$0xFFFFFFD0] =	vst v8  }
0xc7: {  	[tilespmem:s22+$0xFFFFFFE0] =	vst v5;
	s20 =	sadd.s32 $0x1, s20  }
0xc8: {  	[tilespmem:s22+$0xFFFFFFF0] =	vst v3;
	p0 =	sne.s32 s20, $0xD  }
.Ltmp4:
0xc9: {  	[tilespmem:s22+$0x0] =	vst v0;
	(pc) =	sbr.rel @p0 .LBB2_2-.Ltmp4, $4  }
0xca: {  	[tilespmem:s22+$0x10] =	vst v1  }
0xcb: {  	[tilespmem:s22+$0x20] =	vst v2  }
0xcc: {  	s21 =	sadd.s32 s21, s9;
	[tilespmem:s22+$0xFFFFFFC0] =	vst v4  }
0xcd: {  	[hbm4b:s21+s12] =	stream.strided.scatter [tilespmem:s17], [sflag:$0x2], $0x1000, s13, s12, $0x38;
	[tilespmem:$0x1E700] =	vst v63  }
0xce: {  	s19 =	sadd.s32 $0x1, s19  }
0xcf: {  	_ =	swait.ge [sflag:s11], $0x1000;
	p0 =	sne.s32 s19, s10  }
.Ltmp5:
0xd0: {  	[sflag:s11] =	ssyncset.done $0x0;
	(pc) =	sbr.rel @p0 .LBB2_1-.Ltmp5, $4  }
0xd1: {  	[sflag:s11] =	ssyncadd.s32 $0xFFFFF000  }
0xd2: {  	_ =	swait.ge [sflag:s18], $0x1000  }
0xd3: {  	[sflag:s18] =	ssyncset.done $0x0  }
0xd4: {  	[sflag:s18] =	ssyncadd.s32 $0xFFFFF000  }
0xd5: {  	_ =	sfence.sel $0x180000  }
0xd6: {  	[bflag:$0x0] =	sbarrier.arrive $0xFFFF  }
0xd7: {  	p0 =	sne.s32 s3, $0x0;
	_ =	strace $0x90000047  }
0xd8: {  	s0 =	sadd.s32 @!p0 $0x100000, s0;
	[bflag:$0x2] =	sbarrier.arrive $0xFFFF  }
0xd9: {  	[sflag:s0] =	ssyncadd.tile.s32 @!p0 $0x1;
	_ =	shalt  }
.Lfunc_end2:
_tile_overlayer_lowered:
.L_overlay_start_2:
0xda: {  	(tag) =	ssettag $0x2  }
0xdb: {  	s0 =	rddreg [dreg:$0x0];
	s2 =	stileid.u32  }
0xdc: {  	s1 =	rddreg [dreg:$0x1];
	p0 =	sne.s32 s2, $0x0  }
0xdd: {  	s3 =	rddreg [dreg:$0x2];
	[bflag:$0x3] =	sbarrier.arrive $0xFFFF;
	s2 =	simm.s32 @!p0 $0x1C03  }
0xde: {  	[timem:s3], [sflag:s2] =	dma.local @!p0 [hbm:s0], s1  }
0xdf: {  	s0 =	simm.s32 @!p0 $0x3  }
0xe0: {  	_ =	swait.ge @!p0 [sflag:s0], s1  }
0xe1: {  	s1 =	ssub.s32 @!p0 $0x0, s1;
	[sflag:s0] =	ssyncset.done @!p0 $0x0  }
0xe2: {  	[sflag:s0] =	ssyncadd.s32 @!p0 s1  }
0xe3: {  	[bflag:$0x3] =	sbarrier.arrive $0xFFFF  }
0xe4: {  	_ =	shalt  }

</sc_bundles>
